<compile_context>
chip_gen: v7x
topology: tpu7x:2x2x1
jax: 0.10.2.dev20260603
libtpu: 0.0.44.dev20260713+nightly
codegen_flags: <defaults>
</compile_context>

<pallas_src>
import jax
import jax.numpy as jnp
from jax.experimental import pallas as pl
from jax.experimental.pallas import tpu as pltpu

N = 8192
D = 64
NBINS = 64
MAX_DIST = 2.0
R = 256
C = 512
NRB = N // R
NCB = N // C
NEG_INF = float("-inf")
POS_INF = float("inf")


def _body(rlmin_ref, rlmax_ref, clmin_ref, clmax_ref,
          xb_ref, xtb_ref, tcol_ref, trow_ref,
          out_ref, accp_ref, accn_ref, hv_ref):
    i = pl.program_id(0)
    j = pl.program_id(1)

    @pl.when(j == 0)
    def _init():
        accp_ref[...] = jnp.full((1, R), NEG_INF, jnp.float32)
        accn_ref[...] = jnp.full((1, R), POS_INF, jnp.float32)

    xb = xb_ref[...]
    xtb = xtb_ref[...]
    dot = jax.lax.dot_general(
        xb.astype(jnp.bfloat16), xtb.astype(jnp.bfloat16),
        (((1,), (0,)), ((), ())),
        preferred_element_type=jnp.float32,
    )
    h = 0.5 * jnp.sum(xtb * xtb, axis=0, keepdims=True)
    e = h - dot

    overlap = jnp.logical_and(clmax_ref[j] >= rlmin_ref[i],
                              clmin_ref[j] <= rlmax_ref[i])

    @pl.when(overlap)
    def _band():
        mask = tcol_ref[...] == trow_ref[...]
        pmax = jnp.max(jnp.where(mask, e, NEG_INF), axis=1)
        nmin = jnp.min(jnp.where(mask, POS_INF, e), axis=1)
        accp_ref[...] = jnp.maximum(accp_ref[...], pmax.reshape(1, R))
        accn_ref[...] = jnp.minimum(accn_ref[...], nmin.reshape(1, R))

    @pl.when(jnp.logical_not(overlap))
    def _off_band():
        nmin = jnp.min(e, axis=1)
        accn_ref[...] = jnp.minimum(accn_ref[...], nmin.reshape(1, R))

    @pl.when(j == NCB - 1)
    def _finish_row():
        sq_r = jnp.sum(xb * xb, axis=1).reshape(1, R)
        pos = jnp.sqrt(jnp.clip(sq_r + 2.0 * accp_ref[...], 1e-12, None))
        neg = jnp.sqrt(jnp.clip(sq_r + 2.0 * accn_ref[...], 1e-12, None))
        hv_ref[0, pl.ds(i * R, R)] = (pos - neg).reshape(R)

    @pl.when(jnp.logical_and(i == NRB - 1, j == NCB - 1))
    def _hist():
        hv = hv_ref[...]
        max_val = jnp.maximum(MAX_DIST, jnp.max(hv))
        min_val = jnp.minimum(-MAX_DIST, jnp.min(hv))
        bw = (max_val - min_val) / (NBINS - 1)
        lo = jnp.floor((hv - min_val) / bw).astype(jnp.int32)
        hi = jnp.minimum(lo + 1, NBINS - 1)
        alpha = 1.0 - (hv - min_val - lo.astype(jnp.float32) * bw) / bw
        bins = jax.lax.broadcasted_iota(jnp.int32, (NBINS, N), 0)
        contrib = (jnp.where(bins == lo, alpha, 0.0)
                   + jnp.where(bins == hi, 1.0 - alpha, 0.0))
        hist = jnp.sum(contrib, axis=1, keepdims=True)
        hist = hist / (jnp.sum(hist) + 1e-6)
        pdf = hist / jnp.sum(hist)
        w = jnp.sum(jnp.where(bins <= lo, pdf, 0.0), axis=0, keepdims=True)
        out_ref[...] = (jnp.sum(hv * w) / N).reshape(1, 1)


@jax.jit
def kernel(x, targets, histogram):
    del histogram
    order = jnp.argsort(targets)
    ts = targets[order]
    xs = x[order]
    xt = xs.T
    tcol = ts.reshape(N, 1)
    trow = ts.reshape(1, N)
    rl = ts.reshape(NRB, R)
    cl = ts.reshape(NCB, C)
    loss = pl.pallas_call(
        _body,
        grid=(NRB, NCB),
        in_specs=[
            pl.BlockSpec(memory_space=pltpu.SMEM),
            pl.BlockSpec(memory_space=pltpu.SMEM),
            pl.BlockSpec(memory_space=pltpu.SMEM),
            pl.BlockSpec(memory_space=pltpu.SMEM),
            pl.BlockSpec((R, D), lambda i, j: (i, 0)),
            pl.BlockSpec((D, C), lambda i, j: (0, j)),
            pl.BlockSpec((R, 1), lambda i, j: (i, 0)),
            pl.BlockSpec((1, C), lambda i, j: (0, j)),
        ],
        out_specs=pl.BlockSpec((1, 1), lambda i, j: (0, 0)),
        out_shape=jax.ShapeDtypeStruct((1, 1), jnp.float32),
        scratch_shapes=[
            pltpu.VMEM((1, R), jnp.float32),
            pltpu.VMEM((1, R), jnp.float32),
            pltpu.VMEM((1, N), jnp.float32),
        ],
    )(rl[:, 0], rl[:, -1], cl[:, 0], cl[:, -1], xs, xt, tcol, trow)
    return loss.reshape(())

# --- scband reference (transcript-rebuilt; emitter-appended) ---
"""Pipeline reference for scband-soft-margin-triplet-49168785604851 (READ-ONLY COPY).

The authoritative reference and input builder live on the scoring server;
editing this copy changes nothing except your own understanding.
"""

import jax, jax.numpy as jnp
import numpy as np

NBINS = 64
MAX_DIST = 2.0


def setup_inputs(seed: int = 0) -> dict:
    key = jax.random.key(seed)
    k1, k2 = jax.random.split(key)
    x = jax.random.normal(k1, (8192, 64), dtype=jnp.float32)
    targets = jax.random.randint(k2, (8192,), 0, 1024, dtype=jnp.int32)
    histogram = jnp.ones((NBINS,), dtype=jnp.float32)  # registered buffer, init ones(nbins)
    return {"x": x, "targets": targets, "histogram": histogram}


def reference(x, targets, histogram):
    n = x.shape[0]
    # pairwise euclidean distance: ||xi||^2 + ||xj||^2 - 2 xi.xj
    sq = jnp.sum(x * x, axis=1, keepdims=True)
    dist = sq + sq.T - 2.0 * (x @ x.T)
    dist = jnp.sqrt(jnp.clip(dist, 1e-12, None))
    mask = targets[:, None] == targets[None, :]
    # per-anchor hardest positive (max over same-label) and hardest negative (min over diff-label)
    pos_dist = jnp.max(jnp.where(mask, dist, -jnp.inf), axis=1)
    neg_dist = jnp.min(jnp.where(mask, jnp.inf, dist), axis=1)
    hist_val = pos_dist - neg_dist
    hv = jax.lax.stop_gradient(hist_val)  # torch uses .item()/detach for stats
    # first forward call: _stats_initialized is False -> momentum = 1.0
    max_val = jnp.maximum(MAX_DIST, jnp.max(hv))
    min_val = jnp.minimum(-MAX_DIST, jnp.min(hv))
    nbins = histogram.shape[0]
    bin_width = (max_val - min_val) / (nbins - 1)
    lo = jnp.floor((hv - min_val) / bin_width).astype(jnp.int32)
    hi = jnp.clip(lo + 1, 0, nbins - 1)
    alpha = 1.0 - (hv - min_val - lo.astype(jnp.float32) * bin_width) / bin_width
    hist = jnp.zeros((nbins,), dtype=jnp.float32)
    hist = hist.at[lo].add(alpha)          # index_add_ soft-binning, low edge
    hist = hist.at[hi].add(1.0 - alpha)    # index_add_ soft-binning, high edge
    hist = hist / (hist.sum() + 1e-06)
    new_hist = (1.0 - 1.0) * histogram + 1.0 * hist  # momentum=1.0 on first call
    PDF = new_hist / new_hist.sum()
    CDF = jnp.cumsum(PDF)
    bin_idx = jnp.floor((hv - min_val) / bin_width).astype(jnp.int32)
    weight = CDF[bin_idx]
    loss = -(neg_dist * weight).mean() + (pos_dist * weight).mean()
    return loss

if __name__ == "__main__":
    import jax
    _d = setup_inputs()
    print(jax.jit(kernel)(*tuple(_d.values())))

</pallas_src>

<mosaic_0001>
module attributes {stable_mosaic.version = 14 : i64} {
  func.func @_body(%arg0: i32, %arg1: i32, %arg2: memref<32xi32, #tpu.memory_space<smem>>, %arg3: memref<32xi32, #tpu.memory_space<smem>>, %arg4: memref<16xi32, #tpu.memory_space<smem>>, %arg5: memref<16xi32, #tpu.memory_space<smem>>, %arg6: memref<256x64xf32, #tpu.memory_space<vmem>>, %arg7: memref<64x512xf32, #tpu.memory_space<vmem>>, %arg8: memref<256x1xi32, #tpu.memory_space<vmem>>, %arg9: memref<1x512xi32, #tpu.memory_space<vmem>>, %arg10: memref<1x1xf32, #tpu.memory_space<vmem>>, %arg11: memref<1x256xf32, #tpu.memory_space<vmem>>, %arg12: memref<1x256xf32, #tpu.memory_space<vmem>>, %arg13: memref<1x8192xf32, #tpu.memory_space<vmem>>) attributes {dimension_semantics = [#tpu.dimension_semantics<arbitrary>, #tpu.dimension_semantics<arbitrary>], iteration_bounds = array<i64: 32, 16>, scalar_prefetch = 0 : i64, scratch_operands = 3 : i64, tpu.core_type = #tpu.core_type<tc>, window_params = [{transform_indices = @transform_0, window_bounds = array<i64: 32>}, {transform_indices = @transform_1, window_bounds = array<i64: 32>}, {transform_indices = @transform_2, window_bounds = array<i64: 16>}, {transform_indices = @transform_3, window_bounds = array<i64: 16>}, {transform_indices = @transform_4, window_bounds = array<i64: 256, 64>}, {transform_indices = @transform_5, window_bounds = array<i64: 64, 512>}, {transform_indices = @transform_6, window_bounds = array<i64: 256, 1>}, {transform_indices = @transform_7, window_bounds = array<i64: 1, 512>}, {pipeline_mode = #tpu.pipeline_mode<synchronous>, transform_indices = @transform_8, window_bounds = array<i64: 1, 1>}]} {
    %eq3A = arith.constant 0 : i32
    %eq3A_0 = arith.cmpi eq, %arg1, %eq3A : i32
    %convert_element_type3A = arith.extui %eq3A_0 : i1 to i32
    %cond3A = arith.constant 0 : i32
    %cond3A_1 = arith.cmpi ne, %convert_element_type3A, %cond3A : i32
    scf.if %cond3A_1 {
      %broadcast_in_dim3A_43 = arith.constant 0xFF800000 : f32
      %broadcast_in_dim3A_44 = vector.broadcast %broadcast_in_dim3A_43 : f32 to vector<1x256xf32>
      %swap3A = arith.constant 0 : index
      %swap3A_45 = arith.constant 0 : index
      %swap3A_46 = vector.load %arg11[%swap3A, %swap3A_45] : memref<1x256xf32, #tpu.memory_space<vmem>>, vector<1x256xf32>
      tpu.vector_store %arg11[%swap3A, %swap3A_45], %broadcast_in_dim3A_44 {strides = array<i32>} : memref<1x256xf32, #tpu.memory_space<vmem>>, vector<1x256xf32>,
      %broadcast_in_dim3A_47 = arith.constant 0x7F800000 : f32
      %broadcast_in_dim3A_48 = vector.broadcast %broadcast_in_dim3A_47 : f32 to vector<1x256xf32>
      %swap3A_49 = arith.constant 0 : index
      %swap3A_50 = arith.constant 0 : index
      %swap3A_51 = vector.load %arg12[%swap3A_49, %swap3A_50] : memref<1x256xf32, #tpu.memory_space<vmem>>, vector<1x256xf32>
      tpu.vector_store %arg12[%swap3A_49, %swap3A_50], %broadcast_in_dim3A_48 {strides = array<i32>} : memref<1x256xf32, #tpu.memory_space<vmem>>, vector<1x256xf32>,
    } else {
    }
    %get3A = arith.constant 0 : index
    %get3A_2 = arith.constant 0 : index
    %get3A_3 = vector.load %arg6[%get3A, %get3A_2] : memref<256x64xf32, #tpu.memory_space<vmem>>, vector<256x64xf32>
    %get3A_4 = arith.constant 0 : index
    %get3A_5 = arith.constant 0 : index
    %get3A_6 = vector.load %arg7[%get3A_4, %get3A_5] : memref<64x512xf32, #tpu.memory_space<vmem>>, vector<64x512xf32>
    %convert_element_type3A_7 = arith.truncf %get3A_3 : vector<256x64xf32> to vector<256x64xbf16>
    %convert_element_type3A_8 = arith.truncf %get3A_6 : vector<64x512xf32> to vector<64x512xbf16>
    %dot_general3A = arith.constant dense<0.000000e+00> : vector<256x512xf32>
    %dot_general3A_9 = tpu.matmul %convert_element_type3A_7, %convert_element_type3A_8, %dot_general3A {dimension_numbers = #tpu.dot_dimension_numbers<[1], [0], [0], [1], [0, 0, 1, 1], [], []>, transpose_lhs_hint = false} : vector<256x64xbf16>, vector<64x512xbf16>, vector<256x512xf32> -> vector<256x512xf32>
    %mul3A = arith.mulf %get3A_6, %get3A_6 : vector<64x512xf32>
    %reduce_sum3A = arith.constant dense<0.000000e+00> : vector<512xf32>
    %reduce_sum3A_10 = vector.multi_reduction <add>, %mul3A, %reduce_sum3A [0] : vector<64x512xf32> to vector<512xf32>
    %broadcast_in_dim3A = vector.shape_cast %reduce_sum3A_10 : vector<512xf32> to vector<1x512xf32>
    %mul3A_11 = arith.constant 5.000000e-01 : f32
    %mul3A_12 = vector.broadcast %mul3A_11 : f32 to vector<1x512xf32>
    %mul3A_13 = arith.mulf %mul3A_12, %broadcast_in_dim3A : vector<1x512xf32>
    %sub3A = vector.broadcast %mul3A_13 : vector<1x512xf32> to vector<256x512xf32>
    %sub3A_14 = arith.subf %sub3A, %dot_general3A_9 : vector<256x512xf32>
    %get3A_15 = arith.index_cast %arg1 : i32 to index
    %get3A_16 = memref.load %arg5[%get3A_15] : memref<16xi32, #tpu.memory_space<smem>>
    %get3A_17 = arith.index_cast %arg0 : i32 to index
    %get3A_18 = memref.load %arg2[%get3A_17] : memref<32xi32, #tpu.memory_space<smem>>
    %ge3A = arith.cmpi sge, %get3A_16, %get3A_18 : i32
    %get3A_19 = arith.index_cast %arg1 : i32 to index
    %get3A_20 = memref.load %arg4[%get3A_19] : memref<16xi32, #tpu.memory_space<smem>>
    %get3A_21 = arith.index_cast %arg0 : i32 to index
    %get3A_22 = memref.load %arg3[%get3A_21] : memref<32xi32, #tpu.memory_space<smem>>
    %le3A = arith.cmpi sle, %get3A_20, %get3A_22 : i32
    %and3A = arith.andi %ge3A, %le3A : i1
    %convert_element_type3A_23 = arith.extui %and3A : i1 to i32
    %cond3A_24 = arith.constant 0 : i32
    %cond3A_25 = arith.cmpi ne, %convert_element_type3A_23, %cond3A_24 : i32
    scf.if %cond3A_25 {
      %get3A_43 = arith.constant 0 : index
      %get3A_44 = arith.constant 0 : index
      %get3A_45 = vector.load %arg8[%get3A_43, %get3A_44] : memref<256x1xi32, #tpu.memory_space<vmem>>, vector<256x1xi32>
      %get3A_46 = arith.constant 0 : index
      %get3A_47 = arith.constant 0 : index
      %get3A_48 = vector.load %arg9[%get3A_46, %get3A_47] : memref<1x512xi32, #tpu.memory_space<vmem>>, vector<1x512xi32>
      %eq3A_49 = vector.broadcast %get3A_45 : vector<256x1xi32> to vector<256x512xi32>
      %eq3A_50 = vector.broadcast %get3A_48 : vector<1x512xi32> to vector<256x512xi32>
      %eq3A_51 = arith.cmpi eq, %eq3A_49, %eq3A_50 : vector<256x512xi32>
      %jit3A = arith.constant 0xFF800000 : f32
      %broadcast_in_dim3A_52 = vector.broadcast %jit3A : f32 to vector<256x512xf32>
      %select_n3A = arith.select %eq3A_51, %sub3A_14, %broadcast_in_dim3A_52 : vector<256x512xi1>, vector<256x512xf32>
      %reduce_max3A = arith.constant dense<0xFF800000> : vector<256xf32>
      %reduce_max3A_53 = vector.multi_reduction <maximumf>, %select_n3A, %reduce_max3A [1] : vector<256x512xf32> to vector<256xf32>
      %jit3A_54 = arith.constant 0x7F800000 : f32
      %broadcast_in_dim3A_55 = vector.broadcast %jit3A_54 : f32 to vector<256x512xf32>
      %select_n3A_56 = arith.select %eq3A_51, %broadcast_in_dim3A_55, %sub3A_14 : vector<256x512xi1>, vector<256x512xf32>
      %reduce_min3A = arith.constant dense<0x7F800000> : vector<256xf32>
      %reduce_min3A_57 = vector.multi_reduction <minimumf>, %select_n3A_56, %reduce_min3A [1] : vector<256x512xf32> to vector<256xf32>
      %get3A_58 = arith.constant 0 : index
      %get3A_59 = arith.constant 0 : index
      %get3A_60 = vector.load %arg11[%get3A_58, %get3A_59] : memref<1x256xf32, #tpu.memory_space<vmem>>, vector<1x256xf32>
      %reshape3A = vector.shape_cast %reduce_max3A_53 : vector<256xf32> to vector<1x256xf32>
      %max3A = arith.maximumf %get3A_60, %reshape3A : vector<1x256xf32>
      %swap3A = arith.constant 0 : index
      %swap3A_61 = arith.constant 0 : index
      %swap3A_62 = vector.load %arg11[%swap3A, %swap3A_61] : memref<1x256xf32, #tpu.memory_space<vmem>>, vector<1x256xf32>
      tpu.vector_store %arg11[%swap3A, %swap3A_61], %max3A {strides = array<i32>} : memref<1x256xf32, #tpu.memory_space<vmem>>, vector<1x256xf32>,
      %get3A_63 = arith.constant 0 : index
      %get3A_64 = arith.constant 0 : index
      %get3A_65 = vector.load %arg12[%get3A_63, %get3A_64] : memref<1x256xf32, #tpu.memory_space<vmem>>, vector<1x256xf32>
      %reshape3A_66 = vector.shape_cast %reduce_min3A_57 : vector<256xf32> to vector<1x256xf32>
      %min3A = arith.minimumf %get3A_65, %reshape3A_66 : vector<1x256xf32>
      %swap3A_67 = arith.constant 0 : index
      %swap3A_68 = arith.constant 0 : index
      %swap3A_69 = vector.load %arg12[%swap3A_67, %swap3A_68] : memref<1x256xf32, #tpu.memory_space<vmem>>, vector<1x256xf32>
      tpu.vector_store %arg12[%swap3A_67, %swap3A_68], %min3A {strides = array<i32>} : memref<1x256xf32, #tpu.memory_space<vmem>>, vector<1x256xf32>,
    } else {
    }
    %not3A = arith.constant true
    %not3A_26 = arith.xori %and3A, %not3A : i1
    %convert_element_type3A_27 = arith.extui %not3A_26 : i1 to i32
    %cond3A_28 = arith.constant 0 : i32
    %cond3A_29 = arith.cmpi ne, %convert_element_type3A_27, %cond3A_28 : i32
    scf.if %cond3A_29 {
      %reduce_min3A = arith.constant dense<0x7F800000> : vector<256xf32>
      %reduce_min3A_43 = vector.multi_reduction <minimumf>, %sub3A_14, %reduce_min3A [1] : vector<256x512xf32> to vector<256xf32>
      %get3A_44 = arith.constant 0 : index
      %get3A_45 = arith.constant 0 : index
      %get3A_46 = vector.load %arg12[%get3A_44, %get3A_45] : memref<1x256xf32, #tpu.memory_space<vmem>>, vector<1x256xf32>
      %reshape3A = vector.shape_cast %reduce_min3A_43 : vector<256xf32> to vector<1x256xf32>
      %min3A = arith.minimumf %get3A_46, %reshape3A : vector<1x256xf32>
      %swap3A = arith.constant 0 : index
      %swap3A_47 = arith.constant 0 : index
      %swap3A_48 = vector.load %arg12[%swap3A, %swap3A_47] : memref<1x256xf32, #tpu.memory_space<vmem>>, vector<1x256xf32>
      tpu.vector_store %arg12[%swap3A, %swap3A_47], %min3A {strides = array<i32>} : memref<1x256xf32, #tpu.memory_space<vmem>>, vector<1x256xf32>,
    } else {
    }
    %eq3A_30 = arith.constant 15 : i32
    %eq3A_31 = arith.cmpi eq, %arg1, %eq3A_30 : i32
    %convert_element_type3A_32 = arith.extui %eq3A_31 : i1 to i32
    %cond3A_33 = arith.constant 0 : i32
    %cond3A_34 = arith.cmpi ne, %convert_element_type3A_32, %cond3A_33 : i32
    scf.if %cond3A_34 {
      %mul3A_43 = arith.mulf %get3A_3, %get3A_3 : vector<256x64xf32>
      %reduce_sum3A_44 = arith.constant dense<0.000000e+00> : vector<256xf32>
      %reduce_sum3A_45 = vector.multi_reduction <add>, %mul3A_43, %reduce_sum3A_44 [1] : vector<256x64xf32> to vector<256xf32>
      %reshape3A = vector.shape_cast %reduce_sum3A_45 : vector<256xf32> to vector<1x256xf32>
      %get3A_46 = arith.constant 0 : index
      %get3A_47 = arith.constant 0 : index
      %get3A_48 = vector.load %arg11[%get3A_46, %get3A_47] : memref<1x256xf32, #tpu.memory_space<vmem>>, vector<1x256xf32>
      %mul3A_49 = arith.constant 2.000000e+00 : f32
      %mul3A_50 = vector.broadcast %mul3A_49 : f32 to vector<1x256xf32>
      %mul3A_51 = arith.mulf %mul3A_50, %get3A_48 : vector<1x256xf32>
      %add3A = arith.addf %reshape3A, %mul3A_51 : vector<1x256xf32>
      %jit3A = arith.constant 9.99999996E-13 : f32
      %max3A = vector.broadcast %jit3A : f32 to vector<1x256xf32>
      %max3A_52 = arith.maximumf %max3A, %add3A : vector<1x256xf32>
      %sqrt3A = math.sqrt %max3A_52 : vector<1x256xf32>
      %get3A_53 = arith.constant 0 : index
      %get3A_54 = arith.constant 0 : index
      %get3A_55 = vector.load %arg12[%get3A_53, %get3A_54] : memref<1x256xf32, #tpu.memory_space<vmem>>, vector<1x256xf32>
      %mul3A_56 = arith.constant 2.000000e+00 : f32
      %mul3A_57 = vector.broadcast %mul3A_56 : f32 to vector<1x256xf32>
      %mul3A_58 = arith.mulf %mul3A_57, %get3A_55 : vector<1x256xf32>
      %add3A_59 = arith.addf %reshape3A, %mul3A_58 : vector<1x256xf32>
      %jit3A_60 = arith.constant 9.99999996E-13 : f32
      %max3A_61 = vector.broadcast %jit3A_60 : f32 to vector<1x256xf32>
      %max3A_62 = arith.maximumf %max3A_61, %add3A_59 : vector<1x256xf32>
      %sqrt3A_63 = math.sqrt %max3A_62 : vector<1x256xf32>
      %sub3A_64 = arith.subf %sqrt3A, %sqrt3A_63 : vector<1x256xf32>
      %reshape3A_65 = vector.shape_cast %sub3A_64 : vector<1x256xf32> to vector<256xf32>
      %mul3A_66 = arith.constant 256 : i32
      %mul3A_67 = arith.muli %arg0, %mul3A_66 : i32
      %swap3A = arith.constant 0 : index
      %swap3A_68 = arith.index_cast %mul3A_67 : i32 to index
      %swap3A_69 = vector.load %arg13[%swap3A, %swap3A_68] : memref<1x8192xf32, #tpu.memory_space<vmem>>, vector<1x256xf32>
      %swap3A_70 = vector.shape_cast %swap3A_69 : vector<1x256xf32> to vector<256xf32>
      %swap3A_71 = vector.shape_cast %reshape3A_65 : vector<256xf32> to vector<1x256xf32>
      tpu.vector_store %arg13[%swap3A, %swap3A_68], %swap3A_71 {strides = array<i32>} : memref<1x8192xf32, #tpu.memory_space<vmem>>, vector<1x256xf32>,
    } else {
    }
    %eq3A_35 = arith.constant 31 : i32
    %eq3A_36 = arith.cmpi eq, %arg0, %eq3A_35 : i32
    %eq3A_37 = arith.constant 15 : i32
    %eq3A_38 = arith.cmpi eq, %arg1, %eq3A_37 : i32
    %and3A_39 = arith.andi %eq3A_36, %eq3A_38 : i1
    %convert_element_type3A_40 = arith.extui %and3A_39 : i1 to i32
    %cond3A_41 = arith.constant 0 : i32
    %cond3A_42 = arith.cmpi ne, %convert_element_type3A_40, %cond3A_41 : i32
    scf.if %cond3A_42 {
      %get3A_43 = arith.constant 0 : index
      %get3A_44 = arith.constant 0 : index
      %get3A_45 = vector.load %arg13[%get3A_43, %get3A_44] : memref<1x8192xf32, #tpu.memory_space<vmem>>, vector<1x8192xf32>
      %reduce_max3A = vector.shape_cast %get3A_45 : vector<1x8192xf32> to vector<1x1x8192xf32>
      %reduce_max3A_46 = arith.constant dense<0xFF800000> : vector<1xf32>
      %reduce_max3A_47 = vector.multi_reduction <maximumf>, %reduce_max3A, %reduce_max3A_46 [1, 2] : vector<1x1x8192xf32> to vector<1xf32>
      %reduce_max3A_48 = vector.shape_cast %reduce_max3A_47 : vector<1xf32> to vector<1x1x1xf32>
      %reduce_max3A_49 = vector.extract %reduce_max3A_48[0, 0, 0] : f32 from vector<1x1x1xf32>
      %max3A = arith.constant 2.000000e+00 : f32
      %max3A_50 = arith.maximumf %max3A, %reduce_max3A_49 : f32
      %reduce_min3A = vector.shape_cast %get3A_45 : vector<1x8192xf32> to vector<1x1x8192xf32>
      %reduce_min3A_51 = arith.constant dense<0x7F800000> : vector<1xf32>
      %reduce_min3A_52 = vector.multi_reduction <minimumf>, %reduce_min3A, %reduce_min3A_51 [1, 2] : vector<1x1x8192xf32> to vector<1xf32>
      %reduce_min3A_53 = vector.shape_cast %reduce_min3A_52 : vector<1xf32> to vector<1x1x1xf32>
      %reduce_min3A_54 = vector.extract %reduce_min3A_53[0, 0, 0] : f32 from vector<1x1x1xf32>
      %min3A = arith.constant -2.000000e+00 : f32
      %min3A_55 = arith.minimumf %min3A, %reduce_min3A_54 : f32
      %sub3A_56 = arith.subf %max3A_50, %min3A_55 : f32
      %div3A = arith.constant 6.300000e+01 : f32
      %div3A_57 = arith.divf %sub3A_56, %div3A : f32
      %sub3A_58 = vector.broadcast %min3A_55 : f32 to vector<1x8192xf32>
      %sub3A_59 = arith.subf %get3A_45, %sub3A_58 : vector<1x8192xf32>
      %div3A_60 = vector.broadcast %div3A_57 : f32 to vector<1x8192xf32>
      %div3A_61 = arith.divf %sub3A_59, %div3A_60 : vector<1x8192xf32>
      %floor3A = math.floor %div3A_61 : vector<1x8192xf32>
      %convert_element_type3A_62 = arith.fptosi %floor3A : vector<1x8192xf32> to vector<1x8192xi32>
      %add3A = arith.constant 1 : i32
      %add3A_63 = vector.broadcast %add3A : i32 to vector<1x8192xi32>
      %add3A_64 = arith.addi %convert_element_type3A_62, %add3A_63 : vector<1x8192xi32>
      %min3A_65 = arith.constant 63 : i32
      %min3A_66 = vector.broadcast %min3A_65 : i32 to vector<1x8192xi32>
      %min3A_67 = arith.minsi %add3A_64, %min3A_66 : vector<1x8192xi32>
      %sub3A_68 = vector.broadcast %min3A_55 : f32 to vector<1x8192xf32>
      %sub3A_69 = arith.subf %get3A_45, %sub3A_68 : vector<1x8192xf32>
      %convert_element_type3A_70 = arith.sitofp %convert_element_type3A_62 : vector<1x8192xi32> to vector<1x8192xf32>
      %mul3A_71 = vector.broadcast %div3A_57 : f32 to vector<1x8192xf32>
      %mul3A_72 = arith.mulf %convert_element_type3A_70, %mul3A_71 : vector<1x8192xf32>
      %sub3A_73 = arith.subf %sub3A_69, %mul3A_72 : vector<1x8192xf32>
      %div3A_74 = vector.broadcast %div3A_57 : f32 to vector<1x8192xf32>
      %div3A_75 = arith.divf %sub3A_73, %div3A_74 : vector<1x8192xf32>
      %sub3A_76 = arith.constant 1.000000e+00 : f32
      %sub3A_77 = vector.broadcast %sub3A_76 : f32 to vector<1x8192xf32>
      %sub3A_78 = arith.subf %sub3A_77, %div3A_75 : vector<1x8192xf32>
      %iota3A = tpu.iota {dimensions = array<i32: 0>} : vector<64x8192xi32>
      %eq3A_79 = vector.broadcast %convert_element_type3A_62 : vector<1x8192xi32> to vector<64x8192xi32>
      %eq3A_80 = arith.cmpi eq, %iota3A, %eq3A_79 : vector<64x8192xi32>
      %jit3A = arith.constant 0.000000e+00 : f32
      %broadcast_in_dim3A_81 = vector.shape_cast %sub3A_78 : vector<1x8192xf32> to vector<1x8192xf32>
      %broadcast_in_dim3A_82 = vector.broadcast %broadcast_in_dim3A_81 : vector<1x8192xf32> to vector<64x8192xf32>
      %broadcast_in_dim3A_83 = vector.broadcast %jit3A : f32 to vector<64x8192xf32>
      %select_n3A = arith.select %eq3A_80, %broadcast_in_dim3A_82, %broadcast_in_dim3A_83 : vector<64x8192xi1>, vector<64x8192xf32>
      %eq3A_84 = vector.broadcast %min3A_67 : vector<1x8192xi32> to vector<64x8192xi32>
      %eq3A_85 = arith.cmpi eq, %iota3A, %eq3A_84 : vector<64x8192xi32>
      %sub3A_86 = arith.constant 1.000000e+00 : f32
      %sub3A_87 = vector.broadcast %sub3A_86 : f32 to vector<1x8192xf32>
      %sub3A_88 = arith.subf %sub3A_87, %sub3A_78 : vector<1x8192xf32>
      %jit3A_89 = arith.constant 0.000000e+00 : f32
      %broadcast_in_dim3A_90 = vector.shape_cast %sub3A_88 : vector<1x8192xf32> to vector<1x8192xf32>
      %broadcast_in_dim3A_91 = vector.broadcast %broadcast_in_dim3A_90 : vector<1x8192xf32> to vector<64x8192xf32>
      %broadcast_in_dim3A_92 = vector.broadcast %jit3A_89 : f32 to vector<64x8192xf32>
      %select_n3A_93 = arith.select %eq3A_85, %broadcast_in_dim3A_91, %broadcast_in_dim3A_92 : vector<64x8192xi1>, vector<64x8192xf32>
      %add3A_94 = arith.addf %select_n3A, %select_n3A_93 : vector<64x8192xf32>
      %reduce_sum3A_95 = arith.constant dense<0.000000e+00> : vector<64xf32>
      %reduce_sum3A_96 = vector.multi_reduction <add>, %add3A_94, %reduce_sum3A_95 [1] : vector<64x8192xf32> to vector<64xf32>
      %broadcast_in_dim3A_97 = vector.shape_cast %reduce_sum3A_96 : vector<64xf32> to vector<64x1xf32>
      %reduce_sum3A_98 = vector.shape_cast %broadcast_in_dim3A_97 : vector<64x1xf32> to vector<1x64x1xf32>
      %reduce_sum3A_99 = arith.constant dense<0.000000e+00> : vector<1xf32>
      %reduce_sum3A_100 = vector.multi_reduction <add>, %reduce_sum3A_98, %reduce_sum3A_99 [1, 2] : vector<1x64x1xf32> to vector<1xf32>
      %reduce_sum3A_101 = vector.shape_cast %reduce_sum3A_100 : vector<1xf32> to vector<1x1x1xf32>
      %reduce_sum3A_102 = vector.extract %reduce_sum3A_101[0, 0, 0] : f32 from vector<1x1x1xf32>
      %add3A_103 = arith.constant 9.99999997E-7 : f32
      %add3A_104 = arith.addf %reduce_sum3A_102, %add3A_103 : f32
      %div3A_105 = vector.broadcast %add3A_104 : f32 to vector<64x1xf32>
      %div3A_106 = arith.divf %broadcast_in_dim3A_97, %div3A_105 : vector<64x1xf32>
      %reduce_sum3A_107 = vector.shape_cast %div3A_106 : vector<64x1xf32> to vector<1x64x1xf32>
      %reduce_sum3A_108 = arith.constant dense<0.000000e+00> : vector<1xf32>
      %reduce_sum3A_109 = vector.multi_reduction <add>, %reduce_sum3A_107, %reduce_sum3A_108 [1, 2] : vector<1x64x1xf32> to vector<1xf32>
      %reduce_sum3A_110 = vector.shape_cast %reduce_sum3A_109 : vector<1xf32> to vector<1x1x1xf32>
      %reduce_sum3A_111 = vector.extract %reduce_sum3A_110[0, 0, 0] : f32 from vector<1x1x1xf32>
      %div3A_112 = vector.broadcast %reduce_sum3A_111 : f32 to vector<64x1xf32>
      %div3A_113 = arith.divf %div3A_106, %div3A_112 : vector<64x1xf32>
      %le3A_114 = vector.broadcast %convert_element_type3A_62 : vector<1x8192xi32> to vector<64x8192xi32>
      %le3A_115 = arith.cmpi sle, %iota3A, %le3A_114 : vector<64x8192xi32>
      %jit3A_116 = arith.constant 0.000000e+00 : f32
      %broadcast_in_dim3A_117 = vector.shape_cast %div3A_113 : vector<64x1xf32> to vector<64x1xf32>
      %broadcast_in_dim3A_118 = vector.broadcast %broadcast_in_dim3A_117 : vector<64x1xf32> to vector<64x8192xf32>
      %broadcast_in_dim3A_119 = vector.broadcast %jit3A_116 : f32 to vector<64x8192xf32>
      %select_n3A_120 = arith.select %le3A_115, %broadcast_in_dim3A_118, %broadcast_in_dim3A_119 : vector<64x8192xi1>, vector<64x8192xf32>
      %reduce_sum3A_121 = arith.constant dense<0.000000e+00> : vector<8192xf32>
      %reduce_sum3A_122 = vector.multi_reduction <add>, %select_n3A_120, %reduce_sum3A_121 [0] : vector<64x8192xf32> to vector<8192xf32>
      %broadcast_in_dim3A_123 = vector.shape_cast %reduce_sum3A_122 : vector<8192xf32> to vector<1x8192xf32>
      %mul3A_124 = arith.mulf %get3A_45, %broadcast_in_dim3A_123 : vector<1x8192xf32>
      %reduce_sum3A_125 = vector.shape_cast %mul3A_124 : vector<1x8192xf32> to vector<1x1x8192xf32>
      %reduce_sum3A_126 = arith.constant dense<0.000000e+00> : vector<1xf32>
      %reduce_sum3A_127 = vector.multi_reduction <add>, %reduce_sum3A_125, %reduce_sum3A_126 [1, 2] : vector<1x1x8192xf32> to vector<1xf32>
      %reduce_sum3A_128 = vector.shape_cast %reduce_sum3A_127 : vector<1xf32> to vector<1x1x1xf32>
      %reduce_sum3A_129 = vector.extract %reduce_sum3A_128[0, 0, 0] : f32 from vector<1x1x1xf32>
      %div3A_130 = arith.constant 8.192000e+03 : f32
      %div3A_131 = arith.divf %reduce_sum3A_129, %div3A_130 : f32
      %reshape3A = vector.broadcast %div3A_131 : f32 to vector<1x1xf32>
      %swap3A = arith.constant 0 : index
      %swap3A_132 = arith.constant 0 : index
      %swap3A_133 = vector.load %arg10[%swap3A, %swap3A_132] : memref<1x1xf32, #tpu.memory_space<vmem>>, vector<1x1xf32>
      tpu.vector_store %arg10[%swap3A, %swap3A_132], %reshape3A {strides = array<i32>} : memref<1x1xf32, #tpu.memory_space<vmem>>, vector<1x1xf32>,
    } else {
    }
    return
  }
  func.func @transform_0(%arg0: i32, %arg1: i32) -> i32 {
    %c0_i32 = arith.constant 0 : i32
    %c0_i32_0 = arith.constant 0 : i32
    return %c0_i32 : i32
  }
  func.func @transform_1(%arg0: i32, %arg1: i32) -> i32 {
    %c0_i32 = arith.constant 0 : i32
    %c0_i32_0 = arith.constant 0 : i32
    return %c0_i32 : i32
  }
  func.func @transform_2(%arg0: i32, %arg1: i32) -> i32 {
    %c0_i32 = arith.constant 0 : i32
    %c0_i32_0 = arith.constant 0 : i32
    return %c0_i32 : i32
  }
  func.func @transform_3(%arg0: i32, %arg1: i32) -> i32 {
    %c0_i32 = arith.constant 0 : i32
    %c0_i32_0 = arith.constant 0 : i32
    return %c0_i32 : i32
  }
  func.func @transform_4(%arg0: i32, %arg1: i32) -> (i32, i32) {
    %c0_i32 = arith.constant 0 : i32
    %c0_i32_0 = arith.constant 0 : i32
    return %arg0, %c0_i32 : i32, i32
  }
  func.func @transform_5(%arg0: i32, %arg1: i32) -> (i32, i32) {
    %c0_i32 = arith.constant 0 : i32
    %c0_i32_0 = arith.constant 0 : i32
    return %c0_i32, %arg1 : i32, i32
  }
  func.func @transform_6(%arg0: i32, %arg1: i32) -> (i32, i32) {
    %c0_i32 = arith.constant 0 : i32
    %c0_i32_0 = arith.constant 0 : i32
    return %arg0, %c0_i32 : i32, i32
  }
  func.func @transform_7(%arg0: i32, %arg1: i32) -> (i32, i32) {
    %c0_i32 = arith.constant 0 : i32
    %c0_i32_0 = arith.constant 0 : i32
    return %c0_i32, %arg1 : i32, i32
  }
  func.func @transform_8(%arg0: i32, %arg1: i32) -> (i32, i32) {
    %c0_i32 = arith.constant 0 : i32
    %c0_i32_0 = arith.constant 0 : i32
    %c0_i32_1 = arith.constant 0 : i32
    return %c0_i32, %c0_i32_0 : i32, i32
  }
}

</mosaic_0001>

<sc_bundles>
// kernel: gather_offload_async_start.1
scs
__scs_entry_jumppad:
0x0: {  	(pc) =	sbr.rel $0x88, $3  }
0x1: {  	(tag) =	ssettag $0x0;
	lr =	simm.s32 $0x1  }
0x2: {  	[smem:$0x3F9F] =	sst lr;
	_ =	strace $0xD0000000  }
0x3: {  	_ = 	snop  }
0x4: {  	_ = 	snop  }
0x5: {  	_ = 	snop  }
0x6: {  	_ = 	snop  }
0x7: {  	_ = 	snop  }
__scs_overlays_trampoline_lowered:
0x8: {  	[smem:$0x3FAE] =	sst s0  }
0x9: {  	[smem:$0x3FAF] =	sst s1  }
0xa: {  	[smem:$0x3FB0] =	sst s2  }
0xb: {  	[smem:$0x3FB1] =	sst s3  }
0xc: {  	[smem:$0x3FB2] =	sst s4  }
0xd: {  	[smem:$0x3FB3] =	sst s5  }
0xe: {  	[smem:$0x3FB4] =	sst s6  }
0xf: {  	[smem:$0x3FB5] =	sst s7  }
0x10: {  	[smem:$0x3FB6] =	sst s8  }
0x11: {  	[smem:$0x3FB7] =	sst s9;
	s0 =	simm.s32 @!p0 $0x0  }
0x12: {  	s1 =	sld [smem:$0x3F9D];
	s0 =	simm.s32 @p0 $0x1  }
0x13: {  	[smem:$0x3FB8] =	sst s0;
	s0 =	simm.s32 @!p1 $0x0  }
0x14: {  	s2 =	sld [smem:$0x3F9C];
	s0 =	simm.s32 @p1 $0x1  }
0x15: {  	[smem:$0x3FB9] =	sst s0;
	s0 =	simm.s32 @!p2 $0x0  }
0x16: {  	s3 =	sld [smem:$0x3FDB];
	s0 =	simm.s32 @p2 $0x1  }
0x17: {  	s4 =	simm.s32 $0x1BF5;
	[smem:$0x3FBB] =	sst s0  }
0x18: {  	s0 =	sld [smem:$0x3F9E];
	_ =	swait.ge [sflag:s4], $0x0  }
0x19: {  	s7 =	sld [smem:$0x3F9F]  }
0x1a: {  	s8 =	sadd.s32 $0xFFFFE003, lr  }
0x1b: {  	s9 =	sadd.s32 $0xFFFFFEF7, lr;
	s5 =	simm.s32 $0xFFFFFFFF;
	p2 =	slt.u32 s8, $0xFFFFF086  }
0x1c: {  	p1 =	slt.u32 s9, $0xF7A;
	s5 =	simm.s32 @!p2 $0x0  }
0x1d: {  	s5 =	simm.s32 @p1 $0x1;
	p0 =	seq.s32 s7, s2  }
0x1e: {  	s7 =	smul.u32 @!p0 $0xF7A, s2;
	p2 =	seq.s32 @!p0 s5, $0x0  }
0x1f: {  	s9 =	smul.u32 $0xF7A, s1;
	s8 =	simm.s32 @!p0 $0x1BF5;
	p2 =	por !p2, p0  }
0x20: {  	[sflag:s8] =	ssyncset.s32 @!p0 $0xFFFFF086;
	s6 =	sadd.s32 @!p0 s3, s7;
	s7 =	simm.s32 @!p0 $0x108  }
0x21: {  	s3 =	sadd.s32 s3, s9;
	s6 =	sadd.s32 @!p0 $0x88, s6;
	s7 =	simm.s32 @p2 $0x1082  }
0x22: {  	[simem:s7], [sflag:s8] =	dma.local @!p0 [hbm:s6], $0xF7A  }
0x23: {  	s9 =	sor.u32 $0xD0000000, s2;
	s6 =	simm.s32 $0x108;
	_ =	swait.ge @!p0 [sflag:s8], $0x0  }
0x24: {  	s3 =	sadd.s32 $0x88, s3;
	s6 =	simm.s32 @!p1 $0x1082;
	[sflag:s4] =	ssyncset.s32 $0xFFFFF086  }
0x25: {  	[simem:s6], [sflag:s4] =	dma.local [hbm:s3], $0xF7A  }
0x26: {  	[smem:$0x3F9F] =	sst s1;
	(tag) =	ssettag s2;
	_ =	strace s9  }
0x27: {  	s1 =	sld [smem:$0x3FAF]  }
0x28: {  	s2 =	sld [smem:$0x3FB0]  }
0x29: {  	s4 =	sld [smem:$0x3FB2]  }
0x2a: {  	p0 =	seq.s32 s5, $0x0;
	s5 =	sld [smem:$0x3FB3]  }
0x2b: {  	s6 =	sld [smem:$0x3FB4]  }
0x2c: {  	s7 =	sld [smem:$0x3FB5]  }
0x2d: {  	s3 =	simm.s32 $0x108;
	s8 =	sld [smem:$0x3FB6]  }
0x2e: {  	s3 =	simm.s32 @!p0 $0x1082;
	s9 =	sld [smem:$0x3FB7]  }
0x2f: {  	lr =	sadd.s32 s0, s3;
	s0 =	sld [smem:$0x3FAE]  }
0x30: {  	s3 =	sld [smem:$0x3FB1]  }
0x31: {  	[smem:$0x3FBA] =	sst s10  }
0x32: {  	s10 =	sld [smem:$0x3FB8];
	_ =	sdelay $0x3  }
0x33: {  	p0 =	seq.s32 s10, $0x1;
	s10 =	sld [smem:$0x3FBA];
	_ =	sdelay $0x3  }
0x34: {  	[smem:$0x3FBA] =	sst s10  }
0x35: {  	s10 =	sld [smem:$0x3FB9];
	_ =	sdelay $0x3  }
0x36: {  	p1 =	seq.s32 s10, $0x1;
	s10 =	sld [smem:$0x3FBA];
	_ =	sdelay $0x3  }
0x37: {  	[smem:$0x3FBA] =	sst s10  }
0x38: {  	s10 =	sld [smem:$0x3FBB]  }
0x39: {  	_ = 	snop;
	(pc) =	sbr.ind lr, $3  }
0x3a: {  	_ = 	snop  }
0x3b: {  	_ = 	snop  }
0x3c: {  	p2 =	seq.s32 s10, $0x1;
	s10 =	sld [smem:$0x3FBA]  }
0x3d: {  	_ =	shalt  }
0x3e: {  	_ =	shalt  }
0x3f: {  	_ =	shalt  }
0x40: {  	_ =	shalt  }
0x41: {  	_ =	shalt  }
0x42: {  	_ =	shalt  }
0x43: {  	_ =	shalt  }
0x44: {  	_ =	shalt  }
0x45: {  	_ =	shalt  }
0x46: {  	_ =	shalt  }
0x47: {  	_ =	shalt  }
0x48: {  	_ =	shalt  }
0x49: {  	_ =	shalt  }
0x4a: {  	_ =	shalt  }
0x4b: {  	_ =	shalt  }
0x4c: {  	_ =	shalt  }
0x4d: {  	_ =	shalt  }
0x4e: {  	_ =	shalt  }
0x4f: {  	_ =	shalt  }
0x50: {  	_ =	shalt  }
0x51: {  	_ =	shalt  }
0x52: {  	_ =	shalt  }
0x53: {  	_ =	shalt  }
0x54: {  	_ =	shalt  }
0x55: {  	_ =	shalt  }
0x56: {  	_ =	shalt  }
0x57: {  	_ =	shalt  }
0x58: {  	_ =	shalt  }
0x59: {  	_ =	shalt  }
0x5a: {  	_ =	shalt  }
0x5b: {  	_ =	shalt  }
0x5c: {  	_ =	shalt  }
0x5d: {  	_ =	shalt  }
0x5e: {  	_ =	shalt  }
0x5f: {  	_ =	shalt  }
0x60: {  	_ =	shalt  }
0x61: {  	_ =	shalt  }
0x62: {  	_ =	shalt  }
0x63: {  	_ =	shalt  }
0x64: {  	_ =	shalt  }
0x65: {  	_ =	shalt  }
0x66: {  	_ =	shalt  }
0x67: {  	_ =	shalt  }
0x68: {  	_ =	shalt  }
0x69: {  	_ =	shalt  }
0x6a: {  	_ =	shalt  }
0x6b: {  	_ =	shalt  }
0x6c: {  	_ =	shalt  }
0x6d: {  	_ =	shalt  }
0x6e: {  	_ =	shalt  }
0x6f: {  	_ =	shalt  }
0x70: {  	_ =	shalt  }
0x71: {  	_ =	shalt  }
0x72: {  	_ =	shalt  }
0x73: {  	_ =	shalt  }
0x74: {  	_ =	shalt  }
0x75: {  	_ =	shalt  }
0x76: {  	_ =	shalt  }
0x77: {  	_ =	shalt  }
0x78: {  	_ =	shalt  }
0x79: {  	_ =	shalt  }
0x7a: {  	_ =	shalt  }
0x7b: {  	_ =	shalt  }
0x7c: {  	_ =	shalt  }
0x7d: {  	_ =	shalt  }
0x7e: {  	_ =	shalt  }
0x7f: {  	_ =	shalt  }
0x80: {  	_ =	shalt  }
0x81: {  	_ =	shalt  }
0x82: {  	_ =	shalt  }
0x83: {  	_ =	shalt  }
0x84: {  	_ =	shalt  }
0x85: {  	_ =	shalt  }
0x86: {  	_ =	shalt  }
0x87: {  	_ =	shalt  }
.Lfunc_end0:
.L_simem_size_0:
called_computation.1_lowered:
.L_overlay_start_0:
0x88: {  	s2 =	sld [smem:$0x3FD9]  }
0x89: {  	s3 =	sld [smem:$0x3FFE];
	_ =	sdelay $0x1  }
0x8a: {  	s1 =	srdreg.scid  }
0x8b: {  	s0 =	sand.u32 $0x1, s1  }
0x8c: {  	s17 =	sshll.u32 s0, $0xA;
	s2 =	sadd.s32 s3, s2  }
0x8d: {  	s2 =	sadd.s32 s2, s17  }
0x8e: {  	[smem:$0x3FC6] =	sst s2  }
0x8f: {  	_ = 	snop  }
0x90: {  	(tm) =	ssettm $0x1  }
0x91: {  	s18 =	sld [smem:$0x3FFB];
	_ =	sdelay $0x3  }
0x92: {  	_ =	strace s18  }
0x93: {  	s2 =	sld [smem:$0x3FFC];
	_ =	sdelay $0x3  }
0x94: {  	_ =	strace s2  }
0x95: {  	s2 =	sld [smem:$0x3FFD];
	_ =	sdelay $0x3  }
0x96: {  	_ =	strace s2  }
0x97: {  	_ =	strace $0x8FFFFFFF  }
0x98: {  	s19 =	sld [smem:$0x3FDB];
	_ =	sdelay $0x1  }
0x99: {  	s20 =	simm.s32 $_scs_section_size  }
0x9a: {  	s4 =	simm.s32 $_size__tile_overlayer_lowered;
	s5 =	simm.s32 $_tile_overlayer_lowered  }
0x9b: {  	s6 =	simm.s32 $0x1BFF;
	s21 =	sshll.u32 s5, $0x1;
	s3 =	sadd.s32 s20, s19  }
0x9c: {  	s22 =	simm.s32 $0x0;
	s4 =	sshll.u32 s4, $0x1;
	s5 =	sadd.s32 s21, s3  }
0x9d: {  	[timem:s22], [sflag:s6] =	dma.local [hbm:s5], s4  }
0x9e: {  	_ =	swait.ge [sflag:s6], s4  }
0x9f: {  	s4 =	ssub.s32 $0x0, s4;
	[sflag:s6] =	ssyncset.done $0x0  }
0xa0: {  	[sflag:s6] =	ssyncadd.s32 s4;
	_ =	sdelay $0x1  }
0xa1: {  	s23 =	simm.s32 $0x1B8B  }
0xa2: {  	_ =	swait.ge [sflag:s23], $0x1  }
0xa3: {  	[sflag:s23] =	ssyncset.done $0x0  }
0xa4: {  	[sflag:s23] =	ssyncadd.s32 $0xFFFFFFFF  }
0xa5: {  	s4 =	sld [smem:$0x0]  }
0xa6: {  	s5 =	sand.u32 $0xFFFFFFFE, s1  }
0xa7: {  	p0 =	sne.s32 s1, s5  }
0xa8: {  	s5 =	sshll.u32 @p0 s5, $0xE  }
0xa9: {  	s5 =	sadd.s32 @p0 $0x11B8D, s5;
	s6 =	sshll.u32 @p0 s4, $0x11  }
0xaa: {  	s5 =	sor.u32 @p0 s6, s5  }
0xab: {  	[sflag:s5] =	ssyncadd.remote.s32 @p0 $0x1;
	_ =	sdelay $0x1  }
0xac: {  	s5 =	simm.s32 @p0 $0x1B8D  }
0xad: {  	_ =	swait.eq @p0 [sflag:s5], $0x1  }
0xae: {  	[sflag:s5] =	ssyncadd.s32 @p0 $0xFFFFFFFF  }
0xaf: {  	s6 =	sshll.u32 @!p0 s1, $0xE  }
0xb0: {  	s6 =	sor.u32 @!p0 $0x4000, s6;
	s5 =	simm.s32 @!p0 $0x1B8D  }
0xb1: {  	s4 =	sshll.u32 @!p0 s4, $0x11;
	s6 =	sadd.s32 @!p0 $0x11B8D, s6;
	_ =	swait.eq @!p0 [sflag:s5], $0x1  }
0xb2: {  	s4 =	sor.u32 @!p0 s4, s6;
	[sflag:s5] =	ssyncadd.s32 @!p0 $0xFFFFFFFF  }
0xb3: {  	s25 =	simm.s32 $0x1B8E;
	s24 =	sld [smem:$0x3FFE];
	[sflag:s4] =	ssyncadd.remote.s32 @!p0 $0x1  }
0xb4: {  	s26 =	simm.s32 $execute0_lowered;
	[smem:$0x3FD2] =	sst s25  }
0xb5: {  	s5 =	sshll.u32 s26, $0x1;
	_ =	strace $0x80000049;
	[dreg:$0x1] =	wrdreg $0xFFFFFFFF  }
0xb6: {  	s28 =	simm.s32 $_size_execute0_lowered;
	s3 =	sadd.s32 s3, s5;
	[dreg:$0x0] =	wrdreg $0x0  }
0xb7: {  	s5 =	sshll.u32 s28, $0x1;
	[dreg:$0x2] =	wrdreg s3  }
0xb8: {  	[dreg:$0x3] =	wrdreg s5  }
0xb9: {  	[dreg:$0x4] =	wrdreg $0xC0  }
0xba: {  	_ =	task [dreg:s22], $0x5FFFF  }
0xbb: {  	[dreg:$0x1] =	wrdreg $0xFFFFFFFF  }
0xbc: {  	[dreg:$0x0] =	wrdreg $0x60  }
0xbd: {  	[dreg:$0x2] =	wrdreg s24  }
0xbe: {  	[dreg:$0x3] =	wrdreg $0xA  }
0xbf: {  	_ =	task.clear_ibuf [dreg:s22], $0x4FFFF;
	_ =	strace $0x90000049  }
0xc0: {  	s29 =	simm.s32 $0xA;
	_ =	strace $0x8000004B  }
0xc1: {  	_ =	swait.ge [sflag:s29], $0x1  }
0xc2: {  	[sflag:s29] =	ssyncadd.s32 $0xFFFFFFFF  }
0xc3: {  	_ =	strace $0x9000004B  }
0xc4: {  	_ =	sfence  }
0xc5: {  	s30 =	sld [smem:$0x0];
	_ =	sdelay $0x2  }
0xc6: {  	s31 =	sshll.u32 s1, $0xD;
	s1 =	sshrl.u32 s1, $0x2  }
0xc7: {  	s4 =	sand.u32 $0x4000, s31;
	s1 =	sadd.s32 s1, s30  }
0xc8: {  	s0 =	sor.u32 s4, s0;
	s1 =	sshll.u32 s1, $0x11  }
0xc9: {  	s0 =	sor.u32 s1, s0  }
0xca: {  	s0 =	sadd.s32 $0x8F2B, s0  }
0xcb: {  	[sflag:s0] =	ssyncadd.remote.s32 $0x1  }
0xcc: {  	_ =	sfence.sel $0xFFFF  }
0xcd: {  	[dreg:$0x0] =	wrdreg $0xFFFFFFFF;
	(pc) =	sbr.abs _section_cstart, $3  }
0xce: {  	[dreg:$0x1] =	wrdreg $0xFFFFFFFF  }
0xcf: {  	_ =	task.clear_ibuf [dreg:s22], $0x2FFFF;
	_ =	strace $0x9FFFFFFF  }
0xd0: {  	(tm) =	ssettm $0x7FFFFFFF  }
0xd1: {  	_ =	shalt  }
tec
execute0_lowered:
.L_overlay_start_1:
0x0: {  	(tag) =	ssettag $0x1  }
0x1: {  	s2 =	rddreg [dreg:$0x0]  }
0x2: {  	s0 =	rddreg [dreg:$0x1]  }
0x3: {  	s1 =	srdreg.scid;
	_ =	strace $0x8000004A;
	s4 =	simm.s32 $0x1  }
0x4: {  	s9 =	simm.s32 $0x3;
	s12 =	simm.s32 $0x0;
	s5 =	sshll.u32 s1, $0x4  }
.Ltmp0:
0x5: {  	s1 =	stileid.u32;
	s5 =	sand.u32 $0x10, s5;
	(pc) =	sbr.rel .LBB2_1-.Ltmp0, $4  }
0x6: {  	s10 =	simm.s32 $0x0;
	s3 =	sadd.s32 $0x800, s2;
	s6 =	sor.u32 s1, s5  }
0x7: {  	[sflag:s4] =	ssyncpa.u1 $0x0;
	s5 =	simm.s32 $0x2;
	s6 =	sshll.u32 s6, $0x8  }
0x8: {  	s7 =	sadd.s32 $0x20800, s2;
	[sflag:s5] =	ssyncpa.u1 $0x0;
	s8 =	sadd.s32 $0x100, s6  }
0x9: {  	vm0 =	vmmov $0xff;
	vm1 =	vcmask $0x3F20;
	[sflag:s9] =	ssyncpa.u1 $0x0;
	s9 =	simm.s32 $0x100;
	s11 =	smov.u32 s6  }
.LBB2_9:
0xa: {  	p0 =	seq.s32 s10, $0x2  }
.Ltmp1:
0xb: {  	_ = 	snop;
	(pc) =	sbr.rel @p0 .LBB2_11-.Ltmp1, $1  }
0xc: {  	_ =	sdelay $0x3  }
.LBB2_10:
0xd: {  	s12 =	sadd.s32 $0x100, s11  }
0xe: {  	s13 =	smov.u32 s6;
	p0 =	slt.s32 s12, s8  }
0xf: {  	s13 =	smov.u32 @p0 s12  }
0x10: {  	s10 =	sadd.s32 $0x1, s10;
	s12 =	smov.u32 s11;
	s11 =	smov.u32 s13  }
.LBB2_1:
0x11: {  	p0 =	sne.s32 s10, $0x0  }
.Ltmp2:
0x12: {  	_ = 	snop;
	(pc) =	sbr.rel @!p0 .LBB2_2-.Ltmp2, $1  }
0x13: {  	_ =	sdelay $0x3  }
0x14: {  	s13 =	sand.u32 $0x1, s10  }
0x15: {  	p0 =	seq.s32 s13, $0x0  }
.Ltmp3:
0x16: {  	_ = 	snop;
	(pc) =	sbr.rel @p0 .LBB2_9-.Ltmp3, $1  }
0x17: {  	_ =	sdelay $0x3  }
0x18: {  	_ =	swait.ge [sflag:s5], $0x100  }
0x19: {  	[sflag:s5] =	ssyncset.done $0x0  }
0x1a: {  	s13 =	simm.s32 $0x0;
	[sflag:s5] =	ssyncadd.s32 $0xFFFFFF00  }
0x1b: {  	v0 =	vld.msk [tilespmem:s13+$0x100 ss:$0x1], $0xffff;
	_ =	sdelay $0x4  }
0x1c: {  	vm2 =	vgt.s32 v0, $0x0  }
0x1d: {  	v0 =	vnsel vm2, $0x0, v0  }
0x1e: {  	v0 =	vmin.u32 v0, $0x1FFF  }
0x1f: {  	v0 =	vshll.u32 v0, $0x4;
	_ =	sdelay $0x3  }
0x20: {  	s13 =	simm.s32 $0x8200  }
0x21: {  	[tilespmem:s13], [sflag:$0x1] =	stream.indirect_vreg.gather [hbm:s3], $0x80, v0, vm0, $0x38;
	[tilespmem:$0x10200] =	vst v63  }
0x22: {  	s14 =	simm.s32 $0x8600;
	s31 =	simm.s32 $0x10  }
0x23: {  	[tilespmem:s14], [sflag:$0x1] =	stream.indirect_vreg.gather [hbm:s3], $0x80, v0, vm1, $0x38;
	[tilespmem:$0x10200] =	vst v63  }
0x24: {  	s14 =	simm.s32 $0x80;
	v0 =	vld.msk [tilespmem:s31+$0x100 ss:$0x1], $0xffff  }
.LBB2_5:
0x25: {  	p0 =	sne.s32 s14, $0x3C0;
	_ =	sdelay $0x4  }
0x26: {  	vm2 =	vgt.s32 v0, $0x0  }
0x27: {  	v0 =	vnsel vm2, $0x0, v0  }
0x28: {  	v0 =	vmin.u32 v0, $0x1FFF  }
0x29: {  	v0 =	vshll.u32 v0, $0x4;
	_ =	sdelay $0x3  }
.Ltmp4:
0x2a: {  	s13 =	sadd.s32 $0x800, s13;
	(pc) =	sbr.rel @p0 .LBB2_5-.Ltmp4, $4  }
0x2b: {  	[tilespmem:s13], [sflag:$0x1] =	stream.indirect_vreg.gather [hbm:s3], $0x80, v0, vm0, $0x38;
	[tilespmem:$0x10200] =	vst v63  }
0x2c: {  	s15 =	sshra.s32 s14, $0x2;
	s16 =	sadd.s32 $0x400, s13  }
0x2d: {  	[tilespmem:s16], [sflag:$0x1] =	stream.indirect_vreg.gather [hbm:s3], $0x80, v0, vm1, $0x38;
	[tilespmem:$0x10200] =	vst v63  }
0x2e: {  	s14 =	sadd.s32 $0x40, s14;
	v0 =	vld.msk [tilespmem:s15+$0x100 ss:$0x1], $0xffff  }
0x2f: {  	_ =	sdelay $0x3  }
0x30: {  	vm2 =	vgt.s32 v0, $0x0  }
0x31: {  	v0 =	vnsel vm2, $0x0, v0  }
0x32: {  	v0 =	vmin.u32 v0, $0x1FFF  }
0x33: {  	v0 =	vshll.u32 v0, $0x4;
	_ =	sdelay $0x3  }
0x34: {  	s13 =	sadd.s32 $0x800, s13  }
0x35: {  	[tilespmem:s13], [sflag:$0x1] =	stream.indirect_vreg.gather [hbm:s3], $0x80, v0, vm0, $0x38;
	[tilespmem:$0x10200] =	vst v63  }
0x36: {  	s13 =	sadd.s32 $0x400, s13  }
0x37: {  	[tilespmem:s13], [sflag:$0x1] =	stream.indirect_vreg.gather [hbm:s3], $0x80, v0, vm1, $0x38;
	[tilespmem:$0x10200] =	vst v63  }
0x38: {  	s12 =	sshll.u32 s12, $0x4;
	s14 =	simm.s32 $0x80;
	_ =	swait.ge [sflag:s4], $0x8000  }
0x39: {  	s15 =	simm.s32 $0x8600;
	s12 =	sadd.s32 s12, s7;
	[sflag:s4] =	ssyncset.done $0x0  }
0x3a: {  	s16 =	sadd.s32 $0x0, s12;
	s13 =	simm.s32 $0x8200;
	[sflag:s4] =	ssyncadd.s32 $0xFFFF8000  }
.LBB2_7:
0x3b: {  	[hbm:s16] =	stream.linear.scatter [tilespmem:s13], [sflag:$0x3], $0x400, $0x38;
	[tilespmem:$0x10200] =	vst v63  }
0x3c: {  	s16 =	smov.u32 s14;
	s13 =	smov.u32 s15;
	p0 =	sne.s32 s14, $0xF80  }
.Ltmp5:
0x3d: {  	s14 =	sadd.s32 $0x80, s14;
	(pc) =	sbr.rel @p0 .LBB2_7-.Ltmp5, $2  }
0x3e: {  	_ =	sdelay $0x2  }
0x3f: {  	s15 =	sadd.s32 $0x400, s15;
	s16 =	sadd.s32 s16, s12  }
.Ltmp6:
0x40: {  	(pc) =	sbr.rel .LBB2_9-.Ltmp6, $2  }
0x41: {  	_ =	sdelay $0x2  }
0x42: {  	[hbm:s16] =	stream.linear.scatter [tilespmem:s13], [sflag:$0x3], $0x400, $0x38;
	[tilespmem:$0x10200] =	vst v63  }
.LBB2_2:
.Ltmp7:
0x43: {  	(pc) =	sbr.rel .LBB2_10-.Ltmp7, $4  }
0x44: {  	_ = 	snop  }
0x45: {  	s12 =	sshrl.u32 s11, $0x3  }
0x46: {  	s13 =	sand.u32 $0x7, s11;
	s12 =	sadd.s32 s2, s12  }
0x47: {  	[tilespmem:s9], [sflag:$0x2] =	stream.linear.gather [hbm4b:s12+s13], $0x100, $0x38;
	[tilespmem:$0x10200] =	vst v63  }
.LBB2_11:
0x48: {  	s2 =	simm.s32 $0x3  }
0x49: {  	_ =	swait.ge [sflag:s2], $0x8000  }
0x4a: {  	[sflag:s2] =	ssyncset.done $0x0  }
0x4b: {  	[sflag:s2] =	ssyncadd.s32 $0xFFFF8000  }
0x4c: {  	_ =	sfence.sel $0x180000  }
0x4d: {  	s3 =	simm.s32 $0x2;
	[bflag:$0x0] =	sbarrier.arrive $0xFFFF  }
0x4e: {  	[sflag:s3] =	ssyncpa.u1 $0x1  }
0x4f: {  	s31 =	simm.s32 $0x1;
	[sflag:s2] =	ssyncpa.u1 $0x1  }
0x50: {  	[sflag:s31] =	ssyncpa.u1 $0x1  }
0x51: {  	p0 =	sne.s32 s1, $0x0;
	_ =	strace $0x9000004A  }
0x52: {  	s0 =	sadd.s32 @!p0 $0x100000, s0;
	[bflag:$0x2] =	sbarrier.arrive $0xFFFF  }
0x53: {  	[sflag:s0] =	ssyncadd.tile.s32 @!p0 $0x1;
	_ =	shalt  }
.Lfunc_end2:
_tile_overlayer_lowered:
.L_overlay_start_2:
0x54: {  	(tag) =	ssettag $0x2  }
0x55: {  	s0 =	rddreg [dreg:$0x0];
	s2 =	stileid.u32  }
0x56: {  	s1 =	rddreg [dreg:$0x1];
	p0 =	sne.s32 s2, $0x0  }
0x57: {  	s3 =	rddreg [dreg:$0x2];
	[bflag:$0x3] =	sbarrier.arrive $0xFFFF;
	s2 =	simm.s32 @!p0 $0x1C01  }
0x58: {  	[timem:s3], [sflag:s2] =	dma.local @!p0 [hbm:s0], s1  }
0x59: {  	s0 =	simm.s32 @!p0 $0x1  }
0x5a: {  	_ =	swait.ge @!p0 [sflag:s0], s1  }
0x5b: {  	s1 =	ssub.s32 @!p0 $0x0, s1;
	[sflag:s0] =	ssyncset.done @!p0 $0x0  }
0x5c: {  	[sflag:s0] =	ssyncadd.s32 @!p0 s1  }
0x5d: {  	[bflag:$0x3] =	sbarrier.arrive $0xFFFF  }
0x5e: {  	_ =	shalt  }

// kernel: gather_offload_async_start
scs
__scs_entry_jumppad:
0x0: {  	(pc) =	sbr.rel $0x88, $3  }
0x1: {  	(tag) =	ssettag $0x0;
	lr =	simm.s32 $0x1  }
0x2: {  	[smem:$0x3F9F] =	sst lr;
	_ =	strace $0xD0000000  }
0x3: {  	_ = 	snop  }
0x4: {  	_ = 	snop  }
0x5: {  	_ = 	snop  }
0x6: {  	_ = 	snop  }
0x7: {  	_ = 	snop  }
__scs_overlays_trampoline_lowered:
0x8: {  	[smem:$0x3FAE] =	sst s0  }
0x9: {  	[smem:$0x3FAF] =	sst s1  }
0xa: {  	[smem:$0x3FB0] =	sst s2  }
0xb: {  	[smem:$0x3FB1] =	sst s3  }
0xc: {  	[smem:$0x3FB2] =	sst s4  }
0xd: {  	[smem:$0x3FB3] =	sst s5  }
0xe: {  	[smem:$0x3FB4] =	sst s6  }
0xf: {  	[smem:$0x3FB5] =	sst s7  }
0x10: {  	[smem:$0x3FB6] =	sst s8  }
0x11: {  	[smem:$0x3FB7] =	sst s9;
	s0 =	simm.s32 @!p0 $0x0  }
0x12: {  	s1 =	sld [smem:$0x3F9D];
	s0 =	simm.s32 @p0 $0x1  }
0x13: {  	[smem:$0x3FB8] =	sst s0;
	s0 =	simm.s32 @!p1 $0x0  }
0x14: {  	s2 =	sld [smem:$0x3F9C];
	s0 =	simm.s32 @p1 $0x1  }
0x15: {  	[smem:$0x3FB9] =	sst s0;
	s0 =	simm.s32 @!p2 $0x0  }
0x16: {  	s3 =	sld [smem:$0x3FDB];
	s0 =	simm.s32 @p2 $0x1  }
0x17: {  	s4 =	simm.s32 $0x1BF5;
	[smem:$0x3FBB] =	sst s0  }
0x18: {  	s0 =	sld [smem:$0x3F9E];
	_ =	swait.ge [sflag:s4], $0x0  }
0x19: {  	s7 =	sld [smem:$0x3F9F]  }
0x1a: {  	s8 =	sadd.s32 $0xFFFFE003, lr  }
0x1b: {  	s9 =	sadd.s32 $0xFFFFFEF7, lr;
	s5 =	simm.s32 $0xFFFFFFFF;
	p2 =	slt.u32 s8, $0xFFFFF086  }
0x1c: {  	p1 =	slt.u32 s9, $0xF7A;
	s5 =	simm.s32 @!p2 $0x0  }
0x1d: {  	s5 =	simm.s32 @p1 $0x1;
	p0 =	seq.s32 s7, s2  }
0x1e: {  	s7 =	smul.u32 @!p0 $0xF7A, s2;
	p2 =	seq.s32 @!p0 s5, $0x0  }
0x1f: {  	s9 =	smul.u32 $0xF7A, s1;
	s8 =	simm.s32 @!p0 $0x1BF5;
	p2 =	por !p2, p0  }
0x20: {  	[sflag:s8] =	ssyncset.s32 @!p0 $0xFFFFF086;
	s6 =	sadd.s32 @!p0 s3, s7;
	s7 =	simm.s32 @!p0 $0x108  }
0x21: {  	s3 =	sadd.s32 s3, s9;
	s6 =	sadd.s32 @!p0 $0x88, s6;
	s7 =	simm.s32 @p2 $0x1082  }
0x22: {  	[simem:s7], [sflag:s8] =	dma.local @!p0 [hbm:s6], $0xF7A  }
0x23: {  	s9 =	sor.u32 $0xD0000000, s2;
	s6 =	simm.s32 $0x108;
	_ =	swait.ge @!p0 [sflag:s8], $0x0  }
0x24: {  	s3 =	sadd.s32 $0x88, s3;
	s6 =	simm.s32 @!p1 $0x1082;
	[sflag:s4] =	ssyncset.s32 $0xFFFFF086  }
0x25: {  	[simem:s6], [sflag:s4] =	dma.local [hbm:s3], $0xF7A  }
0x26: {  	[smem:$0x3F9F] =	sst s1;
	(tag) =	ssettag s2;
	_ =	strace s9  }
0x27: {  	s1 =	sld [smem:$0x3FAF]  }
0x28: {  	s2 =	sld [smem:$0x3FB0]  }
0x29: {  	s4 =	sld [smem:$0x3FB2]  }
0x2a: {  	p0 =	seq.s32 s5, $0x0;
	s5 =	sld [smem:$0x3FB3]  }
0x2b: {  	s6 =	sld [smem:$0x3FB4]  }
0x2c: {  	s7 =	sld [smem:$0x3FB5]  }
0x2d: {  	s3 =	simm.s32 $0x108;
	s8 =	sld [smem:$0x3FB6]  }
0x2e: {  	s3 =	simm.s32 @!p0 $0x1082;
	s9 =	sld [smem:$0x3FB7]  }
0x2f: {  	lr =	sadd.s32 s0, s3;
	s0 =	sld [smem:$0x3FAE]  }
0x30: {  	s3 =	sld [smem:$0x3FB1]  }
0x31: {  	[smem:$0x3FBA] =	sst s10  }
0x32: {  	s10 =	sld [smem:$0x3FB8];
	_ =	sdelay $0x3  }
0x33: {  	p0 =	seq.s32 s10, $0x1;
	s10 =	sld [smem:$0x3FBA];
	_ =	sdelay $0x3  }
0x34: {  	[smem:$0x3FBA] =	sst s10  }
0x35: {  	s10 =	sld [smem:$0x3FB9];
	_ =	sdelay $0x3  }
0x36: {  	p1 =	seq.s32 s10, $0x1;
	s10 =	sld [smem:$0x3FBA];
	_ =	sdelay $0x3  }
0x37: {  	[smem:$0x3FBA] =	sst s10  }
0x38: {  	s10 =	sld [smem:$0x3FBB]  }
0x39: {  	_ = 	snop;
	(pc) =	sbr.ind lr, $3  }
0x3a: {  	_ = 	snop  }
0x3b: {  	_ = 	snop  }
0x3c: {  	p2 =	seq.s32 s10, $0x1;
	s10 =	sld [smem:$0x3FBA]  }
0x3d: {  	_ =	shalt  }
0x3e: {  	_ =	shalt  }
0x3f: {  	_ =	shalt  }
0x40: {  	_ =	shalt  }
0x41: {  	_ =	shalt  }
0x42: {  	_ =	shalt  }
0x43: {  	_ =	shalt  }
0x44: {  	_ =	shalt  }
0x45: {  	_ =	shalt  }
0x46: {  	_ =	shalt  }
0x47: {  	_ =	shalt  }
0x48: {  	_ =	shalt  }
0x49: {  	_ =	shalt  }
0x4a: {  	_ =	shalt  }
0x4b: {  	_ =	shalt  }
0x4c: {  	_ =	shalt  }
0x4d: {  	_ =	shalt  }
0x4e: {  	_ =	shalt  }
0x4f: {  	_ =	shalt  }
0x50: {  	_ =	shalt  }
0x51: {  	_ =	shalt  }
0x52: {  	_ =	shalt  }
0x53: {  	_ =	shalt  }
0x54: {  	_ =	shalt  }
0x55: {  	_ =	shalt  }
0x56: {  	_ =	shalt  }
0x57: {  	_ =	shalt  }
0x58: {  	_ =	shalt  }
0x59: {  	_ =	shalt  }
0x5a: {  	_ =	shalt  }
0x5b: {  	_ =	shalt  }
0x5c: {  	_ =	shalt  }
0x5d: {  	_ =	shalt  }
0x5e: {  	_ =	shalt  }
0x5f: {  	_ =	shalt  }
0x60: {  	_ =	shalt  }
0x61: {  	_ =	shalt  }
0x62: {  	_ =	shalt  }
0x63: {  	_ =	shalt  }
0x64: {  	_ =	shalt  }
0x65: {  	_ =	shalt  }
0x66: {  	_ =	shalt  }
0x67: {  	_ =	shalt  }
0x68: {  	_ =	shalt  }
0x69: {  	_ =	shalt  }
0x6a: {  	_ =	shalt  }
0x6b: {  	_ =	shalt  }
0x6c: {  	_ =	shalt  }
0x6d: {  	_ =	shalt  }
0x6e: {  	_ =	shalt  }
0x6f: {  	_ =	shalt  }
0x70: {  	_ =	shalt  }
0x71: {  	_ =	shalt  }
0x72: {  	_ =	shalt  }
0x73: {  	_ =	shalt  }
0x74: {  	_ =	shalt  }
0x75: {  	_ =	shalt  }
0x76: {  	_ =	shalt  }
0x77: {  	_ =	shalt  }
0x78: {  	_ =	shalt  }
0x79: {  	_ =	shalt  }
0x7a: {  	_ =	shalt  }
0x7b: {  	_ =	shalt  }
0x7c: {  	_ =	shalt  }
0x7d: {  	_ =	shalt  }
0x7e: {  	_ =	shalt  }
0x7f: {  	_ =	shalt  }
0x80: {  	_ =	shalt  }
0x81: {  	_ =	shalt  }
0x82: {  	_ =	shalt  }
0x83: {  	_ =	shalt  }
0x84: {  	_ =	shalt  }
0x85: {  	_ =	shalt  }
0x86: {  	_ =	shalt  }
0x87: {  	_ =	shalt  }
.Lfunc_end0:
.L_simem_size_0:
called_computation_lowered:
.L_overlay_start_0:
0x88: {  	s2 =	sld [smem:$0x3FD9]  }
0x89: {  	s3 =	sld [smem:$0x3FFE];
	_ =	sdelay $0x1  }
0x8a: {  	s1 =	srdreg.scid  }
0x8b: {  	s0 =	sand.u32 $0x1, s1  }
0x8c: {  	s17 =	sshll.u32 s0, $0xA;
	s2 =	sadd.s32 s3, s2  }
0x8d: {  	s2 =	sadd.s32 s2, s17  }
0x8e: {  	[smem:$0x3FC6] =	sst s2  }
0x8f: {  	_ = 	snop  }
0x90: {  	s2 =	sld [smem:$0x3FC8];
	(tm) =	ssettm $0x1  }
0x91: {  	s18 =	sld [smem:$0x3FFB];
	_ =	sdelay $0x3  }
0x92: {  	_ =	strace s18  }
0x93: {  	s3 =	sld [smem:$0x3FFC];
	_ =	sdelay $0x3  }
0x94: {  	_ =	strace s3  }
0x95: {  	s3 =	sld [smem:$0x3FFD];
	_ =	sdelay $0x3  }
0x96: {  	_ =	strace s3  }
0x97: {  	_ =	strace $0x8FFFFFFF  }
0x98: {  	s19 =	sld [smem:$0x3FDB];
	_ =	sdelay $0x1  }
0x99: {  	s4 =	simm.s32 $_scs_section_size  }
0x9a: {  	s5 =	simm.s32 $_size__tile_overlayer_lowered;
	s6 =	simm.s32 $_tile_overlayer_lowered  }
0x9b: {  	s22 =	simm.s32 $0x1BFF;
	s21 =	sshll.u32 s6, $0x1;
	s3 =	sadd.s32 s4, s19  }
0x9c: {  	s7 =	simm.s32 $0x0;
	s20 =	sshll.u32 s5, $0x1;
	s5 =	sadd.s32 s21, s3  }
0x9d: {  	[timem:s7], [sflag:s22] =	dma.local [hbm:s5], s20  }
0x9e: {  	_ =	swait.ge [sflag:s22], s20  }
0x9f: {  	s4 =	ssub.s32 $0x0, s20;
	[sflag:s22] =	ssyncset.done $0x0  }
0xa0: {  	[sflag:s22] =	ssyncadd.s32 s4;
	_ =	sdelay $0x1  }
0xa1: {  	s23 =	simm.s32 $0x1B8B  }
0xa2: {  	_ =	swait.ge [sflag:s23], $0x1  }
0xa3: {  	[sflag:s23] =	ssyncset.done $0x0  }
0xa4: {  	s25 =	simm.s32 $0x1B8E;
	s24 =	sld [smem:$0x3FFE];
	[sflag:s23] =	ssyncadd.s32 $0xFFFFFFFF  }
0xa5: {  	s26 =	simm.s32 $execute0_lowered;
	[smem:$0x3FD2] =	sst s25  }
0xa6: {  	s5 =	sshll.u32 s26, $0x1;
	_ =	strace $0x80000046;
	[dreg:$0x1] =	wrdreg $0xFFFFFFFF  }
0xa7: {  	s28 =	simm.s32 $_size_execute0_lowered;
	s3 =	sadd.s32 s3, s5;
	[dreg:$0x0] =	wrdreg $0x0  }
0xa8: {  	s5 =	sshll.u32 s28, $0x1;
	[dreg:$0x2] =	wrdreg s3  }
0xa9: {  	[dreg:$0x3] =	wrdreg s5  }
0xaa: {  	[dreg:$0x4] =	wrdreg $0xC0  }
0xab: {  	_ =	task [dreg:s7], $0x5FFFF  }
0xac: {  	[dreg:$0x1] =	wrdreg $0xFFFFFFFF  }
0xad: {  	[dreg:$0x0] =	wrdreg $0x60  }
0xae: {  	[dreg:$0x2] =	wrdreg s2  }
0xaf: {  	[dreg:$0x3] =	wrdreg s24  }
0xb0: {  	[dreg:$0x4] =	wrdreg $0x9  }
0xb1: {  	_ =	task.clear_ibuf [dreg:s7], $0x5FFFF;
	_ =	strace $0x90000046  }
0xb2: {  	s29 =	simm.s32 $0x9;
	_ =	strace $0x80000048  }
0xb3: {  	_ =	swait.ge [sflag:s29], $0x1  }
0xb4: {  	[sflag:s29] =	ssyncadd.s32 $0xFFFFFFFF  }
0xb5: {  	_ =	strace $0x90000048  }
0xb6: {  	_ =	sfence  }
0xb7: {  	s30 =	sld [smem:$0x0];
	_ =	sdelay $0x2  }
0xb8: {  	s31 =	sshll.u32 s1, $0xD;
	s1 =	sshrl.u32 s1, $0x2  }
0xb9: {  	s3 =	sand.u32 $0x4000, s31;
	s1 =	sadd.s32 s1, s30  }
0xba: {  	s0 =	sor.u32 s3, s0;
	s1 =	sshll.u32 s1, $0x11  }
0xbb: {  	s0 =	sor.u32 s1, s0  }
0xbc: {  	s0 =	sadd.s32 $0x8F2B, s0  }
0xbd: {  	[sflag:s0] =	ssyncadd.remote.s32 $0x1  }
0xbe: {  	_ =	sfence.sel $0xFFFF  }
0xbf: {  	[dreg:$0x0] =	wrdreg $0xFFFFFFFF;
	(pc) =	sbr.abs _section_cstart, $3  }
0xc0: {  	[dreg:$0x1] =	wrdreg $0xFFFFFFFF  }
0xc1: {  	_ =	task.clear_ibuf [dreg:s7], $0x2FFFF;
	_ =	strace $0x9FFFFFFF  }
0xc2: {  	(tm) =	ssettm $0x7FFFFFFF  }
0xc3: {  	_ =	shalt  }
tec
execute0_lowered:
.L_overlay_start_1:
0x0: {  	(tag) =	ssettag $0x1  }
0x1: {  	s1 =	srdreg.scid;
	s2 =	rddreg [dreg:$0x0]  }
0x2: {  	s0 =	stileid.u32;
	s3 =	rddreg [dreg:$0x1]  }
0x3: {  	s6 =	simm.s32 $0x1;
	s9 =	simm.s32 $0x1;
	s1 =	sshll.u32 s1, $0x7  }
0x4: {  	s10 =	simm.s32 $0x3;
	s4 =	sshll.u32 s0, $0x8;
	s5 =	sand.u32 $0x80, s1  }
0x5: {  	s13 =	simm.s32 $0x0;
	s12 =	simm.s32 $0x0;
	s4 =	sor.u32 s4, s5  }
0x6: {  	s1 =	rddreg [dreg:$0x2];
	_ =	strace $0x80000047;
	s8 =	ssub.s32 $0x2000, s4  }
.Ltmp0:
0x7: {  	s5 =	sadd.s32 $0x400, s3;
	s7 =	sand.u32 $0xF80, s8;
	(pc) =	sbr.rel .LBB2_1-.Ltmp0, $4  }
0x8: {  	[sflag:s6] =	ssyncpa.u1 $0x0;
	s11 =	smov.u32 s4;
	p0 =	sne.s32 s7, $0x0  }
0x9: {  	s8 =	sshrl.u32 s8, $0xC;
	s7 =	simm.s32 $0x2;
	s9 =	simm.s32 @!p0 $0x0  }
0xa: {  	[sflag:s7] =	ssyncpa.u1 $0x0;
	p0 =	por $0x0, $0x0;
	s8 =	sadd.s32 s9, s8  }
0xb: {  	vm0 =	vmmov $0xffff;
	[sflag:s10] =	ssyncpa.u1 $0x0;
	s10 =	simm.s32 $0x0;
	s9 =	sadd.s32 $0x1, s8  }
.LBB2_4:
0xc: {  	v2 =	vnsel vm1, $0x0, v2  }
0xd: {  	vm1 =	vgt.s32 v0, $0x0;
	v2 =	vmin.u32 v2, $0x1FFF  }
0xe: {  	v0 =	vnsel vm1, $0x0, v0  }
0xf: {  	v0 =	vmin.u32 v0, $0x1FFF  }
0x10: {  	[tilespmem:s15], [sflag:$0x1] =	stream.indirect_vreg.gather [hbm4b:s2+s10], $0x1, v1, vm0, $0x4038;
	[tilespmem:$0x200] =	vst v63  }
0x11: {  	(ifvalue) =	ssetifvalue $0x7FFFFFFF  }
0x12: {  	[tilespmem:s16], [sflag:$0x1] =	stream.indirect_vreg.gather [hbm4b:s2+s10], $0x1, v2, vm0, $0x4038;
	[tilespmem:$0x200] =	vst v63  }
0x13: {  	s29 =	sadd.s32 $0x10, s16;
	(ifvalue) =	ssetifvalue $0x7FFFFFFF  }
0x14: {  	[tilespmem:s29], [sflag:$0x1] =	stream.indirect_vreg.gather [hbm4b:s2+s10], $0x1, v0, vm0, $0x4038;
	[tilespmem:$0x200] =	vst v63  }
0x15: {  	_ =	swait.ge [sflag:s6], $0x80  }
0x16: {  	s30 =	sshrl.u32 s13, $0x3;
	[sflag:s6] =	ssyncset.done $0x0  }
0x17: {  	s31 =	sand.u32 $0x7, s13;
	s15 =	sadd.s32 s5, s30;
	[sflag:s6] =	ssyncadd.s32 $0xFFFFFF80  }
0x18: {  	[hbm4b:s15+s31] =	stream.linear.scatter [tilespmem:s14], [sflag:$0x3], $0x80, $0x38;
	[tilespmem:$0x200] =	vst v63  }
.LBB2_5:
0x19: {  	s15 =	sadd.s32 $0x1000, s11  }
0x1a: {  	p2 =	sgt.s32 s15, $0x1FFF  }
0x1b: {  	s15 =	smov.u32 @p2 s4;
	p2 =	sne.s32 s12, s9  }
.Ltmp1:
0x1c: {  	p1 =	slt.u32 s12, $0x2;
	(pc) =	sbr.rel @!p2 .LBB2_6-.Ltmp1, $4  }
0x1d: {  	s14 =	simm.s32 @!p1 $0x3  }
0x1e: {  	s16 =	sadd.s32 $0x1, s12;
	_ =	swait.ge @!p1 [sflag:s14], $0x80  }
0x1f: {  	s13 =	smov.u32 s11;
	p0 =	por !p0, !p0;
	[sflag:s14] =	ssyncset.done @!p1 $0x0  }
0x20: {  	s12 =	smov.u32 s16;
	s11 =	smov.u32 s15;
	[sflag:s14] =	ssyncadd.s32 @!p1 $0xFFFFFF80  }
.LBB2_1:
0x21: {  	p1 =	sge.u32 s12, s8  }
0x22: {  	s14 =	sxor.u32 @!p1 $0xFFFFFFFF, s12  }
0x23: {  	s31 =	sadd.s32 $0xFFFFFFFF, s12;
	s15 =	sshrl.u32 @!p1 s11, $0x3;
	s14 =	sshll.u32 @!p1 s14, $0x7  }
0x24: {  	s16 =	sand.u32 @!p1 $0x7, s11;
	s15 =	sadd.s32 @!p1 s3, s15;
	s14 =	sand.u32 @!p1 $0x80, s14  }
0x25: {  	[tilespmem:s14], [sflag:$0x2] =	stream.linear.gather @!p1 [hbm4b:s15+s16], $0x80, $0x38;
	[tilespmem:$0x200] =	vst v63  }
0x26: {  	p1 =	sge.u32 s31, s8  }
.Ltmp2:
0x27: {  	_ = 	snop;
	(pc) =	sbr.rel @p1 .LBB2_5-.Ltmp2, $1  }
0x28: {  	_ =	sdelay $0x3  }
0x29: {  	s14 =	simm.s32 $0x1  }
0x2a: {  	_ =	swait.ge [sflag:s7], $0x80;
	s14 =	simm.s32 @!p0 $0x0  }
0x2b: {  	[sflag:s7] =	ssyncset.done $0x0;
	s14 =	sshll.u32 s14, $0x7  }
0x2c: {  	[sflag:s7] =	ssyncadd.s32 $0xFFFFFF80;
	(ifvalue) =	ssetifvalue $0x7FFFFFFF;
	v0 =	vld.msk [tilespmem:s14+$0x0 ss:$0x1], $0xffff;
	_ =	sdelay $0x4  }
0x2d: {  	s15 =	sadd.s32 $0x10, s14;
	vm1 =	vgt.s32 v0, $0x0  }
0x2e: {  	v2 =	vld.msk [tilespmem:s15+$0x0 ss:$0x1], $0xffff;
	v1 =	vnsel vm1, $0x0, v0  }
0x2f: {  	v1 =	vmin.u32 v1, $0x1FFF;
	_ =	sdelay $0x1  }
0x30: {  	s16 =	sshll.u32 s12, $0x7;
	s18 =	simm.s32 $0x20  }
0x31: {  	s16 =	sand.u32 $0x80, s16;
	s17 =	sadd.s32 $0x10, s15;
	s15 =	sor.u32 $0x100, s14  }
0x32: {  	s14 =	sor.u32 $0x100, s16;
	s16 =	sadd.s32 $0x10, s15;
	v0 =	vld.msk [tilespmem:s17+$0x0 ss:$0x1], $0xffff;
	vm1 =	vgt.s32 v2, $0x0;
	(ifvalue) =	ssetifvalue $0x7FFFFFFF  }
.LBB2_3:
0x33: {  	[tilespmem:s15], [sflag:$0x1] =	stream.indirect_vreg.gather [hbm4b:s2+s10], $0x1, v1, vm0, $0x4038;
	[tilespmem:$0x200] =	vst v63  }
0x34: {  	s18 =	sadd.s32 $0x10, s18  }
0x35: {  	v2 =	vnsel vm1, $0x0, v2;
	p1 =	slt.u32 s18, $0x70  }
.Ltmp3:
0x36: {  	s15 =	smov.u32 s16;
	v1 =	vmin.u32 v2, $0x1FFF;
	(pc) =	sbr.rel @p1 .LBB2_3-.Ltmp3, $3  }
0x37: {  	_ =	sdelay $0x1  }
0x38: {  	s17 =	sadd.s32 $0x10, s17  }
0x39: {  	vm1 =	vgt.s32 v0, $0x0;
	s16 =	sadd.s32 $0x10, s16;
	v2 =	vmov v0;
	(ifvalue) =	ssetifvalue $0x7FFFFFFF;
	v0 =	vld.msk [tilespmem:s17+$0x0 ss:$0x1], $0xffff  }
.Ltmp4:
0x3a: {  	_ = 	snop;
	(pc) =	sbr.rel .LBB2_4-.Ltmp4, $1  }
0x3b: {  	_ =	sdelay $0x3  }
.LBB2_6:
0x3c: {  	_ =	sfence.sel $0x180000  }
0x3d: {  	s2 =	simm.s32 $0x2;
	[bflag:$0x0] =	sbarrier.arrive $0xFFFF  }
0x3e: {  	s30 =	simm.s32 $0x3;
	[sflag:s2] =	ssyncpa.u1 $0x1  }
0x3f: {  	s31 =	simm.s32 $0x1;
	[sflag:s30] =	ssyncpa.u1 $0x1  }
0x40: {  	[sflag:s31] =	ssyncpa.u1 $0x1  }
0x41: {  	p0 =	sne.s32 s0, $0x0;
	_ =	strace $0x90000047  }
0x42: {  	s0 =	sadd.s32 @!p0 $0x100000, s1;
	[bflag:$0x2] =	sbarrier.arrive $0xFFFF  }
0x43: {  	[sflag:s0] =	ssyncadd.tile.s32 @!p0 $0x1;
	_ =	shalt  }
.Lfunc_end2:
_tile_overlayer_lowered:
.L_overlay_start_2:
0x44: {  	(tag) =	ssettag $0x2  }
0x45: {  	s0 =	rddreg [dreg:$0x0];
	s2 =	stileid.u32  }
0x46: {  	s1 =	rddreg [dreg:$0x1];
	p0 =	sne.s32 s2, $0x0  }
0x47: {  	s3 =	rddreg [dreg:$0x2];
	[bflag:$0x3] =	sbarrier.arrive $0xFFFF;
	s2 =	simm.s32 @!p0 $0x1C01  }
0x48: {  	[timem:s3], [sflag:s2] =	dma.local @!p0 [hbm:s0], s1  }
0x49: {  	s0 =	simm.s32 @!p0 $0x1  }
0x4a: {  	_ =	swait.ge @!p0 [sflag:s0], s1  }
0x4b: {  	s1 =	ssub.s32 @!p0 $0x0, s1;
	[sflag:s0] =	ssyncset.done @!p0 $0x0  }
0x4c: {  	[sflag:s0] =	ssyncadd.s32 @!p0 s1  }
0x4d: {  	[bflag:$0x3] =	sbarrier.arrive $0xFFFF  }
0x4e: {  	_ =	shalt  }

</sc_bundles>
